<compile_context>
chip_gen: v7x
topology: tpu7x:2x2x1
jax: 0.10.2.dev20260603
libtpu: 0.0.44.dev20260713+nightly
codegen_flags: <defaults>
</compile_context>

<pallas_src>
import jax
import jax.numpy as jnp
from jax.experimental import pallas as pl

_N = 8192
_D = 64
_K = 32
_ALPHA = 3.0
_R = 128
_C = 128
_NCHUNK = _N // _C
_ONE_BITS = 0x3F800000


def _nv_kernel(emb1_ref, emb2_ref, e1t_ref, e2t_ref, w1_ref, b1r_ref,
               b1c_ref, w2_ref, b2r_ref, b2c_ref,
               nv1_ref, nv2_ref, nv1t_ref, nv2t_ref):
    f32 = jnp.float32
    w1 = w1_ref[...]
    w2 = w2_ref[...]
    nv1_ref[...] = jnp.tanh(_ALPHA * (
        jnp.dot(emb1_ref[...], w1.T, preferred_element_type=f32) + b1r_ref[...]))
    nv2_ref[...] = jnp.tanh(_ALPHA * (
        jnp.dot(emb2_ref[...], w2.T, preferred_element_type=f32) + b2r_ref[...]))
    nv1t_ref[...] = jnp.tanh(_ALPHA * (
        jnp.dot(w1, e1t_ref[...], preferred_element_type=f32) + b1c_ref[...]))
    nv2t_ref[...] = jnp.tanh(_ALPHA * (
        jnp.dot(w2, e2t_ref[...], preferred_element_type=f32) + b2c_ref[...]))


def _adj_kernel(nv1b_ref, nv2b_ref, nv1t_ref, nv2t_ref, tric_ref, trin_ref,
                eexp_ref, out_ref):
    f32 = jnp.float32
    bf16 = jnp.bfloat16
    i32 = jnp.int32
    nn = (((1,), (0,)), ((), ()))

    a1 = jnp.dot(nv1b_ref[...], nv2t_ref[...], preferred_element_type=f32)
    a2 = jnp.dot(nv2b_ref[...], nv1t_ref[...], preferred_element_type=f32)
    adj = jnp.maximum(jnp.tanh(_ALPHA * (a1 - a2)), 0.0)

    tric = tric_ref[...]
    trin = trin_ref[...]
    eexp = eexp_ref[...]

    ge1 = adj >= 1.0
    eq2 = ge1.astype(bf16).reshape(_R * _NCHUNK, _C)
    pref_in = jax.lax.dot_general(eq2, tric, nn, preferred_element_type=f32)
    cs = (pref_in[:, _C - 1:_C]
          + eq2[:, _C - 1:_C].astype(f32)).reshape(_R, _NCHUNK)
    cnt1 = jnp.sum(cs, axis=1, keepdims=True)
    quick = jnp.all(cnt1 >= _K)

    @pl.when(quick)
    def _():
        coff = jax.lax.dot_general(cs, trin, nn, preferred_element_type=f32)
        coffc = jnp.minimum(coff, 2.0 * _K).astype(bf16)
        coff_full = jax.lax.dot_general(
            coffc, eexp, nn, preferred_element_type=f32)
        prefb = pref_in.astype(bf16).reshape(_R, _N)
        rank = coff_full + prefb.astype(f32)
        keep = ge1 & (rank < float(_K))
        out_ref[...] = jnp.where(keep, 1.0, 0.0)

    @pl.when(jnp.logical_not(quick))
    def _():
        bits = jax.lax.bitcast_convert_type(adj, i32)

        def body(_i, carry):
            lo, hi = carry
            mid = jax.lax.div(lo + hi, 2)
            cnt = jnp.sum((bits > mid).astype(i32), axis=1, keepdims=True)
            small = cnt < _K
            return (jnp.where(small, lo, mid + 1), jnp.where(small, mid, hi))

        lo0 = jnp.zeros((_R, 1), i32)
        hi0 = jnp.full((_R, 1), _ONE_BITS, i32)
        _lo, hi = jax.lax.fori_loop(0, 31, body, (lo0, hi0))
        t = jax.lax.bitcast_convert_type(hi, f32)

        gt = adj > t
        c_gt = jnp.sum(gt.astype(i32), axis=1, keepdims=True)
        e = (_K - c_gt).astype(f32)
        eq = adj == t
        eq2g = eq.astype(bf16).reshape(_R * _NCHUNK, _C)
        pref_g = jax.lax.dot_general(eq2g, tric, nn, preferred_element_type=f32)
        csg = (pref_g[:, _C - 1:_C]
               + eq2g[:, _C - 1:_C].astype(f32)).reshape(_R, _NCHUNK)
        coffg = jax.lax.dot_general(csg, trin, nn, preferred_element_type=f32)
        pref = (pref_g.reshape(_R, _NCHUNK, _C)
                + coffg[:, :, None]).reshape(_R, _N)
        keep = gt | (eq & (pref < e))
        out_ref[...] = jnp.where(keep, adj, 0.0)


@jax.jit
def kernel(emb1, emb2, lin1_w, lin1_b, lin2_w, lin2_b, idx):
    f32 = jnp.float32
    bf16 = jnp.bfloat16
    emb1 = jnp.take(emb1, idx, axis=0)
    emb2 = jnp.take(emb2, idx, axis=0)

    nv1, nv2, nv1t, nv2t = pl.pallas_call(
        _nv_kernel,
        out_shape=(
            jax.ShapeDtypeStruct((_N, _D), f32),
            jax.ShapeDtypeStruct((_N, _D), f32),
            jax.ShapeDtypeStruct((_D, _N), f32),
            jax.ShapeDtypeStruct((_D, _N), f32),
        ),
    )(emb1, emb2, emb1.T, emb2.T,
      lin1_w, lin1_b.reshape(1, _D), lin1_b.reshape(_D, 1),
      lin2_w, lin2_b.reshape(1, _D), lin2_b.reshape(_D, 1))

    tric = jnp.triu(jnp.ones((_C, _C), bf16), k=1)
    trin = jnp.triu(jnp.ones((_NCHUNK, _NCHUNK), f32), k=1)
    eexp = (jnp.arange(_NCHUNK, dtype=jnp.int32)[:, None]
            == (jnp.arange(_N, dtype=jnp.int32)[None, :] // _C)).astype(bf16)

    grid = _N // _R
    out = pl.pallas_call(
        _adj_kernel,
        grid=(grid,),
        in_specs=[
            pl.BlockSpec((_R, _D), lambda i: (i, 0)),
            pl.BlockSpec((_R, _D), lambda i: (i, 0)),
            pl.BlockSpec((_D, _N), lambda i: (0, 0)),
            pl.BlockSpec((_D, _N), lambda i: (0, 0)),
            pl.BlockSpec((_C, _C), lambda i: (0, 0)),
            pl.BlockSpec((_NCHUNK, _NCHUNK), lambda i: (0, 0)),
            pl.BlockSpec((_NCHUNK, _N), lambda i: (0, 0)),
        ],
        out_specs=pl.BlockSpec((_R, _N), lambda i: (i, 0)),
        out_shape=jax.ShapeDtypeStruct((_N, _N), f32),
    )(nv1, nv2, nv1t, nv2t, tric, trin, eexp)
    return out

# --- scband reference (transcript-rebuilt; emitter-appended) ---
"""Pipeline reference for scband-graph-constructor-89386859364483 (READ-ONLY COPY).

The authoritative reference and input builder live on the scoring server;
editing this copy changes nothing except your own understanding.
"""

import jax, jax.numpy as jnp
import numpy as np

N = 8192
D = 64
K = 32
ALPHA = 3.0

def setup_inputs(seed: int = 0) -> dict:
    key = jax.random.key(seed)
    ks = jax.random.split(key, 6)
    return {
        "emb1": jax.random.normal(ks[0], (N, D), dtype=jnp.float32),
        "emb2": jax.random.normal(ks[1], (N, D), dtype=jnp.float32),
        "lin1_w": jax.random.normal(ks[2], (D, D), dtype=jnp.float32) * (1.0 / np.sqrt(D)),
        "lin1_b": jnp.zeros((D,), dtype=jnp.float32),
        "lin2_w": jax.random.normal(ks[3], (D, D), dtype=jnp.float32) * (1.0 / np.sqrt(D)),
        "lin2_b": jnp.zeros((D,), dtype=jnp.float32),
        "idx": jnp.arange(N, dtype=jnp.int32),
    }

def reference(emb1, emb2, lin1_w, lin1_b, lin2_w, lin2_b, idx):
    # MTGNN-style graph_constructor forward (spatial_func == 'GCN' path)
    nodevec1 = jnp.take(emb1, idx, axis=0)
    nodevec2 = jnp.take(emb2, idx, axis=0)
    nodevec1 = jnp.tanh(ALPHA * (nodevec1 @ lin1_w.T + lin1_b))
    nodevec2 = jnp.tanh(ALPHA * (nodevec2 @ lin2_w.T + lin2_b))
    a = nodevec1 @ nodevec2.T - nodevec2 @ nodevec1.T
    adj = jax.nn.relu(jnp.tanh(ALPHA * a))
    # top-k masking per row: keep top_k entries of each row (set to adj value), rest zero
    s1, t1 = jax.lax.top_k(adj, K)
    rows = jnp.arange(adj.shape[0], dtype=t1.dtype)[:, None]
    mask = jnp.zeros_like(adj).at[rows, t1].set(1.0)
    adj = adj * mask
    return adj

if __name__ == "__main__":
    import jax
    _d = setup_inputs()
    print(jax.jit(kernel)(*tuple(_d.values())))

</pallas_src>

<mosaic_0001>
module attributes {stable_mosaic.version = 14 : i64} {
  func.func @_nv_kernel(%arg0: memref<8192x64xf32, #tpu.memory_space<vmem>>, %arg1: memref<8192x64xf32, #tpu.memory_space<vmem>>, %arg2: memref<64x8192xf32, #tpu.memory_space<vmem>>, %arg3: memref<64x8192xf32, #tpu.memory_space<vmem>>, %arg4: memref<64x64xf32, #tpu.memory_space<vmem>>, %arg5: memref<1x64xf32, #tpu.memory_space<vmem>>, %arg6: memref<64x1xf32, #tpu.memory_space<vmem>>, %arg7: memref<64x64xf32, #tpu.memory_space<vmem>>, %arg8: memref<1x64xf32, #tpu.memory_space<vmem>>, %arg9: memref<64x1xf32, #tpu.memory_space<vmem>>, %arg10: memref<8192x64xf32, #tpu.memory_space<vmem>>, %arg11: memref<8192x64xf32, #tpu.memory_space<vmem>>, %arg12: memref<64x8192xf32, #tpu.memory_space<vmem>>, %arg13: memref<64x8192xf32, #tpu.memory_space<vmem>>) attributes {dimension_semantics = [], scalar_prefetch = 0 : i64, scratch_operands = 0 : i64, tpu.core_type = #tpu.core_type<tc>} {
    %get3A = arith.constant 0 : index
    %get3A_0 = arith.constant 0 : index
    %get3A_1 = vector.load %arg4[%get3A, %get3A_0] : memref<64x64xf32, #tpu.memory_space<vmem>>, vector<64x64xf32>
    %get3A_2 = arith.constant 0 : index
    %get3A_3 = arith.constant 0 : index
    %get3A_4 = vector.load %arg7[%get3A_2, %get3A_3] : memref<64x64xf32, #tpu.memory_space<vmem>>, vector<64x64xf32>
    %get3A_5 = arith.constant 0 : index
    %get3A_6 = arith.constant 0 : index
    %get3A_7 = vector.load %arg0[%get3A_5, %get3A_6] : memref<8192x64xf32, #tpu.memory_space<vmem>>, vector<8192x64xf32>
    %transpose3A = tpu.transpose %get3A_1, [1, 0] : vector<64x64xf32> -> vector<64x64xf32>
    %dot_general3A = arith.constant dense<0.000000e+00> : vector<8192x64xf32>
    %dot_general3A_8 = tpu.matmul %get3A_7, %transpose3A, %dot_general3A {dimension_numbers = #tpu.dot_dimension_numbers<[1], [0], [0], [1], [0, 0, 1, 1], [], []>, transpose_lhs_hint = false} : vector<8192x64xf32>, vector<64x64xf32>, vector<8192x64xf32> -> vector<8192x64xf32>
    %get3A_9 = arith.constant 0 : index
    %get3A_10 = arith.constant 0 : index
    %get3A_11 = vector.load %arg5[%get3A_9, %get3A_10] : memref<1x64xf32, #tpu.memory_space<vmem>>, vector<1x64xf32>
    %add3A = vector.broadcast %get3A_11 : vector<1x64xf32> to vector<8192x64xf32>
    %add3A_12 = arith.addf %dot_general3A_8, %add3A : vector<8192x64xf32>
    %mul3A = arith.constant 3.000000e+00 : f32
    %mul3A_13 = vector.broadcast %mul3A : f32 to vector<8192x64xf32>
    %mul3A_14 = arith.mulf %mul3A_13, %add3A_12 : vector<8192x64xf32>
    %tanh3A = math.tanh %mul3A_14 : vector<8192x64xf32>
    %swap3A = arith.constant 0 : index
    %swap3A_15 = arith.constant 0 : index
    %swap3A_16 = vector.load %arg10[%swap3A, %swap3A_15] : memref<8192x64xf32, #tpu.memory_space<vmem>>, vector<8192x64xf32>
    tpu.vector_store %arg10[%swap3A, %swap3A_15], %tanh3A {strides = array<i32>} : memref<8192x64xf32, #tpu.memory_space<vmem>>, vector<8192x64xf32>,
    %get3A_17 = arith.constant 0 : index
    %get3A_18 = arith.constant 0 : index
    %get3A_19 = vector.load %arg1[%get3A_17, %get3A_18] : memref<8192x64xf32, #tpu.memory_space<vmem>>, vector<8192x64xf32>
    %transpose3A_20 = tpu.transpose %get3A_4, [1, 0] : vector<64x64xf32> -> vector<64x64xf32>
    %dot_general3A_21 = arith.constant dense<0.000000e+00> : vector<8192x64xf32>
    %dot_general3A_22 = tpu.matmul %get3A_19, %transpose3A_20, %dot_general3A_21 {dimension_numbers = #tpu.dot_dimension_numbers<[1], [0], [0], [1], [0, 0, 1, 1], [], []>, transpose_lhs_hint = false} : vector<8192x64xf32>, vector<64x64xf32>, vector<8192x64xf32> -> vector<8192x64xf32>
    %get3A_23 = arith.constant 0 : index
    %get3A_24 = arith.constant 0 : index
    %get3A_25 = vector.load %arg8[%get3A_23, %get3A_24] : memref<1x64xf32, #tpu.memory_space<vmem>>, vector<1x64xf32>
    %add3A_26 = vector.broadcast %get3A_25 : vector<1x64xf32> to vector<8192x64xf32>
    %add3A_27 = arith.addf %dot_general3A_22, %add3A_26 : vector<8192x64xf32>
    %mul3A_28 = arith.constant 3.000000e+00 : f32
    %mul3A_29 = vector.broadcast %mul3A_28 : f32 to vector<8192x64xf32>
    %mul3A_30 = arith.mulf %mul3A_29, %add3A_27 : vector<8192x64xf32>
    %tanh3A_31 = math.tanh %mul3A_30 : vector<8192x64xf32>
    %swap3A_32 = arith.constant 0 : index
    %swap3A_33 = arith.constant 0 : index
    %swap3A_34 = vector.load %arg11[%swap3A_32, %swap3A_33] : memref<8192x64xf32, #tpu.memory_space<vmem>>, vector<8192x64xf32>
    tpu.vector_store %arg11[%swap3A_32, %swap3A_33], %tanh3A_31 {strides = array<i32>} : memref<8192x64xf32, #tpu.memory_space<vmem>>, vector<8192x64xf32>,
    %get3A_35 = arith.constant 0 : index
    %get3A_36 = arith.constant 0 : index
    %get3A_37 = vector.load %arg2[%get3A_35, %get3A_36] : memref<64x8192xf32, #tpu.memory_space<vmem>>, vector<64x8192xf32>
    %dot_general3A_38 = arith.constant dense<0.000000e+00> : vector<64x8192xf32>
    %dot_general3A_39 = tpu.matmul %get3A_1, %get3A_37, %dot_general3A_38 {dimension_numbers = #tpu.dot_dimension_numbers<[1], [0], [0], [1], [0, 0, 1, 1], [], []>, transpose_lhs_hint = false} : vector<64x64xf32>, vector<64x8192xf32>, vector<64x8192xf32> -> vector<64x8192xf32>
    %get3A_40 = arith.constant 0 : index
    %get3A_41 = arith.constant 0 : index
    %get3A_42 = vector.load %arg6[%get3A_40, %get3A_41] : memref<64x1xf32, #tpu.memory_space<vmem>>, vector<64x1xf32>
    %add3A_43 = vector.broadcast %get3A_42 : vector<64x1xf32> to vector<64x8192xf32>
    %add3A_44 = arith.addf %dot_general3A_39, %add3A_43 : vector<64x8192xf32>
    %mul3A_45 = arith.constant 3.000000e+00 : f32
    %mul3A_46 = vector.broadcast %mul3A_45 : f32 to vector<64x8192xf32>
    %mul3A_47 = arith.mulf %mul3A_46, %add3A_44 : vector<64x8192xf32>
    %tanh3A_48 = math.tanh %mul3A_47 : vector<64x8192xf32>
    %swap3A_49 = arith.constant 0 : index
    %swap3A_50 = arith.constant 0 : index
    %swap3A_51 = vector.load %arg12[%swap3A_49, %swap3A_50] : memref<64x8192xf32, #tpu.memory_space<vmem>>, vector<64x8192xf32>
    tpu.vector_store %arg12[%swap3A_49, %swap3A_50], %tanh3A_48 {strides = array<i32>} : memref<64x8192xf32, #tpu.memory_space<vmem>>, vector<64x8192xf32>,
    %get3A_52 = arith.constant 0 : index
    %get3A_53 = arith.constant 0 : index
    %get3A_54 = vector.load %arg3[%get3A_52, %get3A_53] : memref<64x8192xf32, #tpu.memory_space<vmem>>, vector<64x8192xf32>
    %dot_general3A_55 = arith.constant dense<0.000000e+00> : vector<64x8192xf32>
    %dot_general3A_56 = tpu.matmul %get3A_4, %get3A_54, %dot_general3A_55 {dimension_numbers = #tpu.dot_dimension_numbers<[1], [0], [0], [1], [0, 0, 1, 1], [], []>, transpose_lhs_hint = false} : vector<64x64xf32>, vector<64x8192xf32>, vector<64x8192xf32> -> vector<64x8192xf32>
    %get3A_57 = arith.constant 0 : index
    %get3A_58 = arith.constant 0 : index
    %get3A_59 = vector.load %arg9[%get3A_57, %get3A_58] : memref<64x1xf32, #tpu.memory_space<vmem>>, vector<64x1xf32>
    %add3A_60 = vector.broadcast %get3A_59 : vector<64x1xf32> to vector<64x8192xf32>
    %add3A_61 = arith.addf %dot_general3A_56, %add3A_60 : vector<64x8192xf32>
    %mul3A_62 = arith.constant 3.000000e+00 : f32
    %mul3A_63 = vector.broadcast %mul3A_62 : f32 to vector<64x8192xf32>
    %mul3A_64 = arith.mulf %mul3A_63, %add3A_61 : vector<64x8192xf32>
    %tanh3A_65 = math.tanh %mul3A_64 : vector<64x8192xf32>
    %swap3A_66 = arith.constant 0 : index
    %swap3A_67 = arith.constant 0 : index
    %swap3A_68 = vector.load %arg13[%swap3A_66, %swap3A_67] : memref<64x8192xf32, #tpu.memory_space<vmem>>, vector<64x8192xf32>
    tpu.vector_store %arg13[%swap3A_66, %swap3A_67], %tanh3A_65 {strides = array<i32>} : memref<64x8192xf32, #tpu.memory_space<vmem>>, vector<64x8192xf32>,
    return
  }
}

module attributes {stable_mosaic.version = 14 : i64} {
  func.func @_adj_kernel(%arg0: i32, %arg1: memref<128x64xf32, #tpu.memory_space<vmem>>, %arg2: memref<128x64xf32, #tpu.memory_space<vmem>>, %arg3: memref<64x8192xf32, #tpu.memory_space<vmem>>, %arg4: memref<64x8192xf32, #tpu.memory_space<vmem>>, %arg5: memref<128x128xbf16, #tpu.memory_space<vmem>>, %arg6: memref<64x64xf32, #tpu.memory_space<vmem>>, %arg7: memref<64x8192xbf16, #tpu.memory_space<vmem>>, %arg8: memref<128x8192xf32, #tpu.memory_space<vmem>>) attributes {dimension_semantics = [#tpu.dimension_semantics<arbitrary>], iteration_bounds = array<i64: 64>, scalar_prefetch = 0 : i64, scratch_operands = 0 : i64, tpu.core_type = #tpu.core_type<tc>, window_params = [{transform_indices = @transform_0, window_bounds = array<i64: 128, 64>}, {transform_indices = @transform_1, window_bounds = array<i64: 128, 64>}, {pipeline_mode = #tpu.pipeline_mode<synchronous>, transform_indices = @transform_2, window_bounds = array<i64: 64, 8192>}, {pipeline_mode = #tpu.pipeline_mode<synchronous>, transform_indices = @transform_3, window_bounds = array<i64: 64, 8192>}, {pipeline_mode = #tpu.pipeline_mode<synchronous>, transform_indices = @transform_4, window_bounds = array<i64: 128, 128>}, {pipeline_mode = #tpu.pipeline_mode<synchronous>, transform_indices = @transform_5, window_bounds = array<i64: 64, 64>}, {pipeline_mode = #tpu.pipeline_mode<synchronous>, transform_indices = @transform_6, window_bounds = array<i64: 64, 8192>}, {transform_indices = @transform_7, window_bounds = array<i64: 128, 8192>}]} {
    %get3A = arith.constant 0 : index
    %get3A_0 = arith.constant 0 : index
    %get3A_1 = vector.load %arg1[%get3A, %get3A_0] : memref<128x64xf32, #tpu.memory_space<vmem>>, vector<128x64xf32>
    %get3A_2 = arith.constant 0 : index
    %get3A_3 = arith.constant 0 : index
    %get3A_4 = vector.load %arg4[%get3A_2, %get3A_3] : memref<64x8192xf32, #tpu.memory_space<vmem>>, vector<64x8192xf32>
    %dot_general3A = arith.constant dense<0.000000e+00> : vector<128x8192xf32>
    %dot_general3A_5 = tpu.matmul %get3A_1, %get3A_4, %dot_general3A {dimension_numbers = #tpu.dot_dimension_numbers<[1], [0], [0], [1], [0, 0, 1, 1], [], []>, transpose_lhs_hint = false} : vector<128x64xf32>, vector<64x8192xf32>, vector<128x8192xf32> -> vector<128x8192xf32>
    %get3A_6 = arith.constant 0 : index
    %get3A_7 = arith.constant 0 : index
    %get3A_8 = vector.load %arg2[%get3A_6, %get3A_7] : memref<128x64xf32, #tpu.memory_space<vmem>>, vector<128x64xf32>
    %get3A_9 = arith.constant 0 : index
    %get3A_10 = arith.constant 0 : index
    %get3A_11 = vector.load %arg3[%get3A_9, %get3A_10] : memref<64x8192xf32, #tpu.memory_space<vmem>>, vector<64x8192xf32>
    %dot_general3A_12 = arith.constant dense<0.000000e+00> : vector<128x8192xf32>
    %dot_general3A_13 = tpu.matmul %get3A_8, %get3A_11, %dot_general3A_12 {dimension_numbers = #tpu.dot_dimension_numbers<[1], [0], [0], [1], [0, 0, 1, 1], [], []>, transpose_lhs_hint = false} : vector<128x64xf32>, vector<64x8192xf32>, vector<128x8192xf32> -> vector<128x8192xf32>
    %sub3A = arith.subf %dot_general3A_5, %dot_general3A_13 : vector<128x8192xf32>
    %mul3A = arith.constant 3.000000e+00 : f32
    %mul3A_14 = vector.broadcast %mul3A : f32 to vector<128x8192xf32>
    %mul3A_15 = arith.mulf %mul3A_14, %sub3A : vector<128x8192xf32>
    %tanh3A = math.tanh %mul3A_15 : vector<128x8192xf32>
    %max3A = arith.constant 0.000000e+00 : f32
    %max3A_16 = vector.broadcast %max3A : f32 to vector<128x8192xf32>
    %max3A_17 = arith.maximumf %tanh3A, %max3A_16 : vector<128x8192xf32>
    %get3A_18 = arith.constant 0 : index
    %get3A_19 = arith.constant 0 : index
    %get3A_20 = vector.load %arg5[%get3A_18, %get3A_19] : memref<128x128xbf16, #tpu.memory_space<vmem>>, vector<128x128xbf16>
    %get3A_21 = arith.constant 0 : index
    %get3A_22 = arith.constant 0 : index
    %get3A_23 = vector.load %arg6[%get3A_21, %get3A_22] : memref<64x64xf32, #tpu.memory_space<vmem>>, vector<64x64xf32>
    %get3A_24 = arith.constant 0 : index
    %get3A_25 = arith.constant 0 : index
    %get3A_26 = vector.load %arg7[%get3A_24, %get3A_25] : memref<64x8192xbf16, #tpu.memory_space<vmem>>, vector<64x8192xbf16>
    %ge3A = arith.constant 1.000000e+00 : f32
    %ge3A_27 = vector.broadcast %ge3A : f32 to vector<128x8192xf32>
    %ge3A_28 = arith.cmpf oge, %max3A_17, %ge3A_27 : vector<128x8192xf32>
    %convert_element_type3A = arith.extui %ge3A_28 : vector<128x8192xi1> to vector<128x8192xi32>
    %convert_element_type3A_29 = arith.sitofp %convert_element_type3A : vector<128x8192xi32> to vector<128x8192xf32>
    %convert_element_type3A_30 = arith.truncf %convert_element_type3A_29 : vector<128x8192xf32> to vector<128x8192xbf16>
    %reshape3A = vector.shape_cast %convert_element_type3A_30 : vector<128x8192xbf16> to vector<8192x128xbf16>
    %dot_general3A_31 = arith.constant dense<0.000000e+00> : vector<8192x128xf32>
    %dot_general3A_32 = tpu.matmul %reshape3A, %get3A_20, %dot_general3A_31 {dimension_numbers = #tpu.dot_dimension_numbers<[1], [0], [0], [1], [0, 0, 1, 1], [], []>, transpose_lhs_hint = false} : vector<8192x128xbf16>, vector<128x128xbf16>, vector<8192x128xf32> -> vector<8192x128xf32>
    %slice3A = vector.extract_strided_slice %dot_general3A_32 {offsets = [0, 127], sizes = [8192, 1], strides = [1, 1]} : vector<8192x128xf32> to vector<8192x1xf32>
    %slice3A_33 = vector.extract_strided_slice %reshape3A {offsets = [0, 127], sizes = [8192, 1], strides = [1, 1]} : vector<8192x128xbf16> to vector<8192x1xbf16>
    %convert_element_type3A_34 = arith.extf %slice3A_33 : vector<8192x1xbf16> to vector<8192x1xf32>
    %add3A = arith.addf %slice3A, %convert_element_type3A_34 : vector<8192x1xf32>
    %reshape3A_35 = vector.shape_cast %add3A : vector<8192x1xf32> to vector<128x64xf32>
    %reduce_sum3A = arith.constant dense<0.000000e+00> : vector<128xf32>
    %reduce_sum3A_36 = vector.multi_reduction <add>, %reshape3A_35, %reduce_sum3A [1] : vector<128x64xf32> to vector<128xf32>
    %broadcast_in_dim3A = vector.shape_cast %reduce_sum3A_36 : vector<128xf32> to vector<128x1xf32>
    %ge3A_37 = arith.constant 3.200000e+01 : f32
    %ge3A_38 = vector.broadcast %ge3A_37 : f32 to vector<128x1xf32>
    %ge3A_39 = arith.cmpf oge, %broadcast_in_dim3A, %ge3A_38 : vector<128x1xf32>
    %reduce_and3A = arith.constant 1.000000e+00 : f32
    %reduce_and3A_40 = arith.constant 0.000000e+00 : f32
    %reduce_and3A_41 = vector.broadcast %reduce_and3A : f32 to vector<128x1xf32>
    %reduce_and3A_42 = vector.broadcast %reduce_and3A_40 : f32 to vector<128x1xf32>
    %reduce_and3A_43 = arith.select %ge3A_39, %reduce_and3A_41, %reduce_and3A_42 : vector<128x1xi1>, vector<128x1xf32>
    %reduce_and3A_44 = vector.shape_cast %reduce_and3A_43 : vector<128x1xf32> to vector<1x128x1xf32>
    %reduce_and3A_45 = arith.constant dense<0x7F800000> : vector<1xf32>
    %reduce_and3A_46 = vector.multi_reduction <minimumf>, %reduce_and3A_44, %reduce_and3A_45 [1, 2] : vector<1x128x1xf32> to vector<1xf32>
    %reduce_and3A_47 = vector.shape_cast %reduce_and3A_46 : vector<1xf32> to vector<1x1x1xf32>
    %reduce_and3A_48 = vector.extract %reduce_and3A_47[0, 0, 0] : f32 from vector<1x1x1xf32>
    %reduce_and3A_49 = arith.constant 0.000000e+00 : f32
    %reduce_and3A_50 = arith.cmpf ogt, %reduce_and3A_48, %reduce_and3A_49 : f32
    %convert_element_type3A_51 = arith.extui %reduce_and3A_50 : i1 to i32
    %cond3A = arith.constant 0 : i32
    %cond3A_52 = arith.cmpi ne, %convert_element_type3A_51, %cond3A : i32
    scf.if %cond3A_52 {
      %dot_general3A_57 = arith.constant dense<0.000000e+00> : vector<128x64xf32>
      %dot_general3A_58 = tpu.matmul %reshape3A_35, %get3A_23, %dot_general3A_57 {dimension_numbers = #tpu.dot_dimension_numbers<[1], [0], [0], [1], [0, 0, 1, 1], [], []>, transpose_lhs_hint = false} : vector<128x64xf32>, vector<64x64xf32>, vector<128x64xf32> -> vector<128x64xf32>
      %min3A = arith.constant 6.400000e+01 : f32
      %min3A_59 = vector.broadcast %min3A : f32 to vector<128x64xf32>
      %min3A_60 = arith.minimumf %dot_general3A_58, %min3A_59 : vector<128x64xf32>
      %convert_element_type3A_61 = arith.truncf %min3A_60 : vector<128x64xf32> to vector<128x64xbf16>
      %dot_general3A_62 = arith.constant dense<0.000000e+00> : vector<128x8192xf32>
      %dot_general3A_63 = tpu.matmul %convert_element_type3A_61, %get3A_26, %dot_general3A_62 {dimension_numbers = #tpu.dot_dimension_numbers<[1], [0], [0], [1], [0, 0, 1, 1], [], []>, transpose_lhs_hint = false} : vector<128x64xbf16>, vector<64x8192xbf16>, vector<128x8192xf32> -> vector<128x8192xf32>
      %convert_element_type3A_64 = arith.truncf %dot_general3A_32 : vector<8192x128xf32> to vector<8192x128xbf16>
      %reshape3A_65 = vector.shape_cast %convert_element_type3A_64 : vector<8192x128xbf16> to vector<128x8192xbf16>
      %convert_element_type3A_66 = arith.extf %reshape3A_65 : vector<128x8192xbf16> to vector<128x8192xf32>
      %add3A_67 = arith.addf %dot_general3A_63, %convert_element_type3A_66 : vector<128x8192xf32>
      %lt3A = arith.constant 3.200000e+01 : f32
      %lt3A_68 = vector.broadcast %lt3A : f32 to vector<128x8192xf32>
      %lt3A_69 = arith.cmpf olt, %add3A_67, %lt3A_68 : vector<128x8192xf32>
      %and3A = arith.andi %ge3A_28, %lt3A_69 : vector<128x8192xi1>
      %jit3A = arith.constant 1.000000e+00 : f32
      %jit3A_70 = arith.constant 0.000000e+00 : f32
      %broadcast_in_dim3A_71 = vector.broadcast %jit3A : f32 to vector<128x8192xf32>
      %broadcast_in_dim3A_72 = vector.broadcast %jit3A_70 : f32 to vector<128x8192xf32>
      %select_n3A = arith.select %and3A, %broadcast_in_dim3A_71, %broadcast_in_dim3A_72 : vector<128x8192xi1>, vector<128x8192xf32>
      %swap3A = arith.constant 0 : index
      %swap3A_73 = arith.constant 0 : index
      %swap3A_74 = vector.load %arg8[%swap3A, %swap3A_73] : memref<128x8192xf32, #tpu.memory_space<vmem>>, vector<128x8192xf32>
      tpu.vector_store %arg8[%swap3A, %swap3A_73], %select_n3A {strides = array<i32>} : memref<128x8192xf32, #tpu.memory_space<vmem>>, vector<128x8192xf32>,
    } else {
    }
    %not3A = arith.constant true
    %not3A_53 = arith.xori %reduce_and3A_50, %not3A : i1
    %convert_element_type3A_54 = arith.extui %not3A_53 : i1 to i32
    %cond3A_55 = arith.constant 0 : i32
    %cond3A_56 = arith.cmpi ne, %convert_element_type3A_54, %cond3A_55 : i32
    scf.if %cond3A_56 {
      %bitcast_convert_type3A = tpu.bitcast %max3A_17 : vector<128x8192xf32> -> vector<128x8192xi32>
      %broadcast_in_dim3A_57 = arith.constant 0 : i32
      %broadcast_in_dim3A_58 = vector.broadcast %broadcast_in_dim3A_57 : i32 to vector<128x1xi32>
      %broadcast_in_dim3A_59 = arith.constant 1065353216 : i32
      %broadcast_in_dim3A_60 = vector.broadcast %broadcast_in_dim3A_59 : i32 to vector<128x1xi32>
      %scan3A = arith.constant 0 : i32
      %scan3A_61 = arith.constant 31 : i32
      %scan3A_62 = arith.addi %scan3A, %scan3A_61 : i32
      %scan3A_63 = arith.constant 1 : i32
      %scan3A_64:2 = scf.for %scan3A_98 = %scan3A to %scan3A_62 step %scan3A_63 iter_args(%scan3A_99 = %broadcast_in_dim3A_58, %scan3A_100 = %broadcast_in_dim3A_60) -> (vector<128x1xi32>, vector<128x1xi32>)  : i32 {
        %add3A_101 = arith.addi %scan3A_99, %scan3A_100 : vector<128x1xi32>
        %div3A = arith.constant 2 : i32
        %div3A_102 = vector.broadcast %div3A : i32 to vector<128x1xi32>
        %div3A_103 = arith.divsi %add3A_101, %div3A_102 : vector<128x1xi32>
        %gt3A_104 = vector.broadcast %div3A_103 : vector<128x1xi32> to vector<128x8192xi32>
        %gt3A_105 = arith.cmpi sgt, %bitcast_convert_type3A, %gt3A_104 : vector<128x8192xi32>
        %convert_element_type3A_106 = arith.extui %gt3A_105 : vector<128x8192xi1> to vector<128x8192xi32>
        %reduce_sum3A_107 = arith.constant dense<0> : vector<128xi32>
        %reduce_sum3A_108 = vector.multi_reduction <add>, %convert_element_type3A_106, %reduce_sum3A_107 [1] : vector<128x8192xi32> to vector<128xi32>
        %broadcast_in_dim3A_109 = vector.shape_cast %reduce_sum3A_108 : vector<128xi32> to vector<128x1xi32>
        %lt3A_110 = arith.constant 32 : i32
        %lt3A_111 = vector.broadcast %lt3A_110 : i32 to vector<128x1xi32>
        %lt3A_112 = arith.cmpi slt, %broadcast_in_dim3A_109, %lt3A_111 : vector<128x1xi32>
        %add3A_113 = arith.constant 1 : i32
        %add3A_114 = vector.broadcast %add3A_113 : i32 to vector<128x1xi32>
        %add3A_115 = arith.addi %div3A_103, %add3A_114 : vector<128x1xi32>
        %select_n3A_116 = arith.select %lt3A_112, %scan3A_99, %add3A_115 : vector<128x1xi1>, vector<128x1xi32>
        %select_n3A_117 = arith.select %lt3A_112, %div3A_103, %scan3A_100 : vector<128x1xi1>, vector<128x1xi32>
        scf.yield %select_n3A_116, %select_n3A_117 : vector<128x1xi32>, vector<128x1xi32>
      }
      %bitcast_convert_type3A_65 = tpu.bitcast %scan3A_64#1 : vector<128x1xi32> -> vector<128x1xf32>
      %gt3A = vector.broadcast %bitcast_convert_type3A_65 : vector<128x1xf32> to vector<128x8192xf32>
      %gt3A_66 = arith.cmpf ogt, %max3A_17, %gt3A : vector<128x8192xf32>
      %convert_element_type3A_67 = arith.extui %gt3A_66 : vector<128x8192xi1> to vector<128x8192xi32>
      %reduce_sum3A_68 = arith.constant dense<0> : vector<128xi32>
      %reduce_sum3A_69 = vector.multi_reduction <add>, %convert_element_type3A_67, %reduce_sum3A_68 [1] : vector<128x8192xi32> to vector<128xi32>
      %broadcast_in_dim3A_70 = vector.shape_cast %reduce_sum3A_69 : vector<128xi32> to vector<128x1xi32>
      %sub3A_71 = arith.constant 32 : i32
      %sub3A_72 = vector.broadcast %sub3A_71 : i32 to vector<128x1xi32>
      %sub3A_73 = arith.subi %sub3A_72, %broadcast_in_dim3A_70 : vector<128x1xi32>
      %convert_element_type3A_74 = arith.sitofp %sub3A_73 : vector<128x1xi32> to vector<128x1xf32>
      %eq3A = vector.broadcast %bitcast_convert_type3A_65 : vector<128x1xf32> to vector<128x8192xf32>
      %eq3A_75 = arith.cmpf oeq, %max3A_17, %eq3A : vector<128x8192xf32>
      %convert_element_type3A_76 = arith.extui %eq3A_75 : vector<128x8192xi1> to vector<128x8192xi32>
      %convert_element_type3A_77 = arith.sitofp %convert_element_type3A_76 : vector<128x8192xi32> to vector<128x8192xf32>
      %convert_element_type3A_78 = arith.truncf %convert_element_type3A_77 : vector<128x8192xf32> to vector<128x8192xbf16>
      %reshape3A_79 = vector.shape_cast %convert_element_type3A_78 : vector<128x8192xbf16> to vector<8192x128xbf16>
      %dot_general3A_80 = arith.constant dense<0.000000e+00> : vector<8192x128xf32>
      %dot_general3A_81 = tpu.matmul %reshape3A_79, %get3A_20, %dot_general3A_80 {dimension_numbers = #tpu.dot_dimension_numbers<[1], [0], [0], [1], [0, 0, 1, 1], [], []>, transpose_lhs_hint = false} : vector<8192x128xbf16>, vector<128x128xbf16>, vector<8192x128xf32> -> vector<8192x128xf32>
      %slice3A_82 = vector.extract_strided_slice %dot_general3A_81 {offsets = [0, 127], sizes = [8192, 1], strides = [1, 1]} : vector<8192x128xf32> to vector<8192x1xf32>
      %slice3A_83 = vector.extract_strided_slice %reshape3A_79 {offsets = [0, 127], sizes = [8192, 1], strides = [1, 1]} : vector<8192x128xbf16> to vector<8192x1xbf16>
      %convert_element_type3A_84 = arith.extf %slice3A_83 : vector<8192x1xbf16> to vector<8192x1xf32>
      %add3A_85 = arith.addf %slice3A_82, %convert_element_type3A_84 : vector<8192x1xf32>
      %reshape3A_86 = vector.shape_cast %add3A_85 : vector<8192x1xf32> to vector<128x64xf32>
      %dot_general3A_87 = arith.constant dense<0.000000e+00> : vector<128x64xf32>
      %dot_general3A_88 = tpu.matmul %reshape3A_86, %get3A_23, %dot_general3A_87 {dimension_numbers = #tpu.dot_dimension_numbers<[1], [0], [0], [1], [0, 0, 1, 1], [], []>, transpose_lhs_hint = false} : vector<128x64xf32>, vector<64x64xf32>, vector<128x64xf32> -> vector<128x64xf32>
      %reshape3A_89 = vector.shape_cast %dot_general3A_81 : vector<8192x128xf32> to vector<128x64x128xf32>
      %broadcast_in_dim3A_90 = vector.shape_cast %dot_general3A_88 : vector<128x64xf32> to vector<128x64x1xf32>
      %add3A_91 = vector.broadcast %broadcast_in_dim3A_90 : vector<128x64x1xf32> to vector<128x64x128xf32>
      %add3A_92 = arith.addf %reshape3A_89, %add3A_91 : vector<128x64x128xf32>
      %reshape3A_93 = vector.shape_cast %add3A_92 : vector<128x64x128xf32> to vector<128x8192xf32>
      %lt3A = vector.broadcast %convert_element_type3A_74 : vector<128x1xf32> to vector<128x8192xf32>
      %lt3A_94 = arith.cmpf olt, %reshape3A_93, %lt3A : vector<128x8192xf32>
      %and3A = arith.andi %eq3A_75, %lt3A_94 : vector<128x8192xi1>
      %or3A = arith.ori %gt3A_66, %and3A : vector<128x8192xi1>
      %jit3A = arith.constant 0.000000e+00 : f32
      %broadcast_in_dim3A_95 = vector.broadcast %jit3A : f32 to vector<128x8192xf32>
      %select_n3A = arith.select %or3A, %max3A_17, %broadcast_in_dim3A_95 : vector<128x8192xi1>, vector<128x8192xf32>
      %swap3A = arith.constant 0 : index
      %swap3A_96 = arith.constant 0 : index
      %swap3A_97 = vector.load %arg8[%swap3A, %swap3A_96] : memref<128x8192xf32, #tpu.memory_space<vmem>>, vector<128x8192xf32>
      tpu.vector_store %arg8[%swap3A, %swap3A_96], %select_n3A {strides = array<i32>} : memref<128x8192xf32, #tpu.memory_space<vmem>>, vector<128x8192xf32>,
    } else {
    }
    return
  }
  func.func @transform_0(%arg0: i32) -> (i32, i32) {
    %c0_i32 = arith.constant 0 : i32
    %c0_i32_0 = arith.constant 0 : i32
    return %arg0, %c0_i32 : i32, i32
  }
  func.func @transform_1(%arg0: i32) -> (i32, i32) {
    %c0_i32 = arith.constant 0 : i32
    %c0_i32_0 = arith.constant 0 : i32
    return %arg0, %c0_i32 : i32, i32
  }
  func.func @transform_2(%arg0: i32) -> (i32, i32) {
    %c0_i32 = arith.constant 0 : i32
    %c0_i32_0 = arith.constant 0 : i32
    %c0_i32_1 = arith.constant 0 : i32
    return %c0_i32, %c0_i32_0 : i32, i32
  }
  func.func @transform_3(%arg0: i32) -> (i32, i32) {
    %c0_i32 = arith.constant 0 : i32
    %c0_i32_0 = arith.constant 0 : i32
    %c0_i32_1 = arith.constant 0 : i32
    return %c0_i32, %c0_i32_0 : i32, i32
  }
  func.func @transform_4(%arg0: i32) -> (i32, i32) {
    %c0_i32 = arith.constant 0 : i32
    %c0_i32_0 = arith.constant 0 : i32
    %c0_i32_1 = arith.constant 0 : i32
    return %c0_i32, %c0_i32_0 : i32, i32
  }
  func.func @transform_5(%arg0: i32) -> (i32, i32) {
    %c0_i32 = arith.constant 0 : i32
    %c0_i32_0 = arith.constant 0 : i32
    %c0_i32_1 = arith.constant 0 : i32
    return %c0_i32, %c0_i32_0 : i32, i32
  }
  func.func @transform_6(%arg0: i32) -> (i32, i32) {
    %c0_i32 = arith.constant 0 : i32
    %c0_i32_0 = arith.constant 0 : i32
    %c0_i32_1 = arith.constant 0 : i32
    return %c0_i32, %c0_i32_0 : i32, i32
  }
  func.func @transform_7(%arg0: i32) -> (i32, i32) {
    %c0_i32 = arith.constant 0 : i32
    %c0_i32_0 = arith.constant 0 : i32
    return %arg0, %c0_i32 : i32, i32
  }
}

</mosaic_0001>

<sc_bundles>
// kernel: gather_offload_async_start.1
scs
__scs_entry_jumppad:
0x0: {  	(pc) =	sbr.rel $0x88, $3  }
0x1: {  	(tag) =	ssettag $0x0;
	lr =	simm.s32 $0x1  }
0x2: {  	[smem:$0x3F9A] =	sst lr;
	_ =	strace $0xD0000000  }
0x3: {  	_ = 	snop  }
0x4: {  	_ = 	snop  }
0x5: {  	_ = 	snop  }
0x6: {  	_ = 	snop  }
0x7: {  	_ = 	snop  }
__scs_overlays_trampoline_lowered:
0x8: {  	[smem:$0x3FA9] =	sst s0  }
0x9: {  	[smem:$0x3FAA] =	sst s1  }
0xa: {  	[smem:$0x3FAB] =	sst s2  }
0xb: {  	[smem:$0x3FAC] =	sst s3  }
0xc: {  	[smem:$0x3FAD] =	sst s4  }
0xd: {  	[smem:$0x3FAE] =	sst s5  }
0xe: {  	[smem:$0x3FAF] =	sst s6  }
0xf: {  	[smem:$0x3FB0] =	sst s7  }
0x10: {  	[smem:$0x3FB1] =	sst s8  }
0x11: {  	[smem:$0x3FB2] =	sst s9;
	s0 =	simm.s32 @!p0 $0x0  }
0x12: {  	s1 =	sld [smem:$0x3F98];
	s0 =	simm.s32 @p0 $0x1  }
0x13: {  	[smem:$0x3FB3] =	sst s0;
	s0 =	simm.s32 @!p1 $0x0  }
0x14: {  	s2 =	sld [smem:$0x3F97];
	s0 =	simm.s32 @p1 $0x1  }
0x15: {  	[smem:$0x3FB4] =	sst s0;
	s0 =	simm.s32 @!p2 $0x0  }
0x16: {  	s3 =	sld [smem:$0x3FDB];
	s0 =	simm.s32 @p2 $0x1  }
0x17: {  	s4 =	simm.s32 $0x1BF5;
	[smem:$0x3FB6] =	sst s0  }
0x18: {  	s0 =	sld [smem:$0x3F99];
	_ =	swait.ge [sflag:s4], $0x0  }
0x19: {  	s7 =	sld [smem:$0x3F9A]  }
0x1a: {  	s8 =	sadd.s32 $0xFFFFE003, lr  }
0x1b: {  	s9 =	sadd.s32 $0xFFFFFEF7, lr;
	s5 =	simm.s32 $0xFFFFFFFF;
	p2 =	slt.u32 s8, $0xFFFFF086  }
0x1c: {  	p1 =	slt.u32 s9, $0xF7A;
	s5 =	simm.s32 @!p2 $0x0  }
0x1d: {  	s5 =	simm.s32 @p1 $0x1;
	p0 =	seq.s32 s7, s2  }
0x1e: {  	s7 =	smul.u32 @!p0 $0xF7A, s2;
	p2 =	seq.s32 @!p0 s5, $0x0  }
0x1f: {  	s9 =	smul.u32 $0xF7A, s1;
	s8 =	simm.s32 @!p0 $0x1BF5;
	p2 =	por !p2, p0  }
0x20: {  	[sflag:s8] =	ssyncset.s32 @!p0 $0xFFFFF086;
	s6 =	sadd.s32 @!p0 s3, s7;
	s7 =	simm.s32 @!p0 $0x108  }
0x21: {  	s3 =	sadd.s32 s3, s9;
	s6 =	sadd.s32 @!p0 $0x88, s6;
	s7 =	simm.s32 @p2 $0x1082  }
0x22: {  	[simem:s7], [sflag:s8] =	dma.local @!p0 [hbm:s6], $0xF7A  }
0x23: {  	s9 =	sor.u32 $0xD0000000, s2;
	s6 =	simm.s32 $0x108;
	_ =	swait.ge @!p0 [sflag:s8], $0x0  }
0x24: {  	s3 =	sadd.s32 $0x88, s3;
	s6 =	simm.s32 @!p1 $0x1082;
	[sflag:s4] =	ssyncset.s32 $0xFFFFF086  }
0x25: {  	[simem:s6], [sflag:s4] =	dma.local [hbm:s3], $0xF7A  }
0x26: {  	[smem:$0x3F9A] =	sst s1;
	(tag) =	ssettag s2;
	_ =	strace s9  }
0x27: {  	s1 =	sld [smem:$0x3FAA]  }
0x28: {  	s2 =	sld [smem:$0x3FAB]  }
0x29: {  	s4 =	sld [smem:$0x3FAD]  }
0x2a: {  	p0 =	seq.s32 s5, $0x0;
	s5 =	sld [smem:$0x3FAE]  }
0x2b: {  	s6 =	sld [smem:$0x3FAF]  }
0x2c: {  	s7 =	sld [smem:$0x3FB0]  }
0x2d: {  	s3 =	simm.s32 $0x108;
	s8 =	sld [smem:$0x3FB1]  }
0x2e: {  	s3 =	simm.s32 @!p0 $0x1082;
	s9 =	sld [smem:$0x3FB2]  }
0x2f: {  	lr =	sadd.s32 s0, s3;
	s0 =	sld [smem:$0x3FA9]  }
0x30: {  	s3 =	sld [smem:$0x3FAC]  }
0x31: {  	[smem:$0x3FB5] =	sst s10  }
0x32: {  	s10 =	sld [smem:$0x3FB3];
	_ =	sdelay $0x3  }
0x33: {  	p0 =	seq.s32 s10, $0x1;
	s10 =	sld [smem:$0x3FB5];
	_ =	sdelay $0x3  }
0x34: {  	[smem:$0x3FB5] =	sst s10  }
0x35: {  	s10 =	sld [smem:$0x3FB4];
	_ =	sdelay $0x3  }
0x36: {  	p1 =	seq.s32 s10, $0x1;
	s10 =	sld [smem:$0x3FB5];
	_ =	sdelay $0x3  }
0x37: {  	[smem:$0x3FB5] =	sst s10  }
0x38: {  	s10 =	sld [smem:$0x3FB6]  }
0x39: {  	_ = 	snop;
	(pc) =	sbr.ind lr, $3  }
0x3a: {  	_ = 	snop  }
0x3b: {  	_ = 	snop  }
0x3c: {  	p2 =	seq.s32 s10, $0x1;
	s10 =	sld [smem:$0x3FB5]  }
0x3d: {  	_ =	shalt  }
0x3e: {  	_ =	shalt  }
0x3f: {  	_ =	shalt  }
0x40: {  	_ =	shalt  }
0x41: {  	_ =	shalt  }
0x42: {  	_ =	shalt  }
0x43: {  	_ =	shalt  }
0x44: {  	_ =	shalt  }
0x45: {  	_ =	shalt  }
0x46: {  	_ =	shalt  }
0x47: {  	_ =	shalt  }
0x48: {  	_ =	shalt  }
0x49: {  	_ =	shalt  }
0x4a: {  	_ =	shalt  }
0x4b: {  	_ =	shalt  }
0x4c: {  	_ =	shalt  }
0x4d: {  	_ =	shalt  }
0x4e: {  	_ =	shalt  }
0x4f: {  	_ =	shalt  }
0x50: {  	_ =	shalt  }
0x51: {  	_ =	shalt  }
0x52: {  	_ =	shalt  }
0x53: {  	_ =	shalt  }
0x54: {  	_ =	shalt  }
0x55: {  	_ =	shalt  }
0x56: {  	_ =	shalt  }
0x57: {  	_ =	shalt  }
0x58: {  	_ =	shalt  }
0x59: {  	_ =	shalt  }
0x5a: {  	_ =	shalt  }
0x5b: {  	_ =	shalt  }
0x5c: {  	_ =	shalt  }
0x5d: {  	_ =	shalt  }
0x5e: {  	_ =	shalt  }
0x5f: {  	_ =	shalt  }
0x60: {  	_ =	shalt  }
0x61: {  	_ =	shalt  }
0x62: {  	_ =	shalt  }
0x63: {  	_ =	shalt  }
0x64: {  	_ =	shalt  }
0x65: {  	_ =	shalt  }
0x66: {  	_ =	shalt  }
0x67: {  	_ =	shalt  }
0x68: {  	_ =	shalt  }
0x69: {  	_ =	shalt  }
0x6a: {  	_ =	shalt  }
0x6b: {  	_ =	shalt  }
0x6c: {  	_ =	shalt  }
0x6d: {  	_ =	shalt  }
0x6e: {  	_ =	shalt  }
0x6f: {  	_ =	shalt  }
0x70: {  	_ =	shalt  }
0x71: {  	_ =	shalt  }
0x72: {  	_ =	shalt  }
0x73: {  	_ =	shalt  }
0x74: {  	_ =	shalt  }
0x75: {  	_ =	shalt  }
0x76: {  	_ =	shalt  }
0x77: {  	_ =	shalt  }
0x78: {  	_ =	shalt  }
0x79: {  	_ =	shalt  }
0x7a: {  	_ =	shalt  }
0x7b: {  	_ =	shalt  }
0x7c: {  	_ =	shalt  }
0x7d: {  	_ =	shalt  }
0x7e: {  	_ =	shalt  }
0x7f: {  	_ =	shalt  }
0x80: {  	_ =	shalt  }
0x81: {  	_ =	shalt  }
0x82: {  	_ =	shalt  }
0x83: {  	_ =	shalt  }
0x84: {  	_ =	shalt  }
0x85: {  	_ =	shalt  }
0x86: {  	_ =	shalt  }
0x87: {  	_ =	shalt  }
.Lfunc_end0:
.L_simem_size_0:
called_computation.1_lowered:
.L_overlay_start_0:
0x88: {  	s2 =	sld [smem:$0x3FD9]  }
0x89: {  	s3 =	sld [smem:$0x3FFE];
	_ =	sdelay $0x1  }
0x8a: {  	s1 =	srdreg.scid  }
0x8b: {  	s0 =	sand.u32 $0x1, s1  }
0x8c: {  	s17 =	sshll.u32 s0, $0xA;
	s2 =	sadd.s32 s3, s2  }
0x8d: {  	s2 =	sadd.s32 s2, s17  }
0x8e: {  	[smem:$0x3FC1] =	sst s2  }
0x8f: {  	_ = 	snop  }
0x90: {  	s2 =	sld [smem:$0x3FD0];
	(tm) =	ssettm $0x1  }
0x91: {  	s18 =	sld [smem:$0x3FFB];
	_ =	sdelay $0x3  }
0x92: {  	_ =	strace s18  }
0x93: {  	s3 =	sld [smem:$0x3FFC];
	_ =	sdelay $0x3  }
0x94: {  	_ =	strace s3  }
0x95: {  	s3 =	sld [smem:$0x3FFD];
	_ =	sdelay $0x3  }
0x96: {  	_ =	strace s3  }
0x97: {  	_ =	strace $0x8FFFFFFF  }
0x98: {  	s19 =	sld [smem:$0x3FDB];
	_ =	sdelay $0x1  }
0x99: {  	s4 =	simm.s32 $_scs_section_size  }
0x9a: {  	s5 =	simm.s32 $_size__tile_overlayer_lowered;
	s6 =	simm.s32 $_tile_overlayer_lowered  }
0x9b: {  	s22 =	simm.s32 $0x1BFF;
	s21 =	sshll.u32 s6, $0x1;
	s3 =	sadd.s32 s4, s19  }
0x9c: {  	s7 =	simm.s32 $0x0;
	s20 =	sshll.u32 s5, $0x1;
	s5 =	sadd.s32 s21, s3  }
0x9d: {  	[timem:s7], [sflag:s22] =	dma.local [hbm:s5], s20  }
0x9e: {  	_ =	swait.ge [sflag:s22], s20  }
0x9f: {  	s4 =	ssub.s32 $0x0, s20;
	[sflag:s22] =	ssyncset.done $0x0  }
0xa0: {  	[sflag:s22] =	ssyncadd.s32 s4;
	_ =	sdelay $0x1  }
0xa1: {  	s23 =	simm.s32 $0x1B8B  }
0xa2: {  	_ =	swait.ge [sflag:s23], $0x1  }
0xa3: {  	[sflag:s23] =	ssyncset.done $0x0  }
0xa4: {  	s25 =	simm.s32 $0x1B8E;
	s24 =	sld [smem:$0x3FFE];
	[sflag:s23] =	ssyncadd.s32 $0xFFFFFFFF  }
0xa5: {  	s26 =	simm.s32 $execute0_lowered;
	[smem:$0x3FD2] =	sst s25  }
0xa6: {  	s5 =	sshll.u32 s26, $0x1;
	_ =	strace $0x80000046;
	[dreg:$0x1] =	wrdreg $0xFFFFFFFF  }
0xa7: {  	s28 =	simm.s32 $_size_execute0_lowered;
	s3 =	sadd.s32 s3, s5;
	[dreg:$0x0] =	wrdreg $0x0  }
0xa8: {  	s5 =	sshll.u32 s28, $0x1;
	[dreg:$0x2] =	wrdreg s3  }
0xa9: {  	[dreg:$0x3] =	wrdreg s5  }
0xaa: {  	[dreg:$0x4] =	wrdreg $0xC0  }
0xab: {  	_ =	task [dreg:s7], $0x5FFFF  }
0xac: {  	[dreg:$0x1] =	wrdreg $0xFFFFFFFF  }
0xad: {  	[dreg:$0x0] =	wrdreg $0x60  }
0xae: {  	[dreg:$0x2] =	wrdreg s2  }
0xaf: {  	[dreg:$0x3] =	wrdreg s24  }
0xb0: {  	[dreg:$0x4] =	wrdreg $0xA  }
0xb1: {  	_ =	task.clear_ibuf [dreg:s7], $0x5FFFF;
	_ =	strace $0x90000046  }
0xb2: {  	s29 =	simm.s32 $0xA;
	_ =	strace $0x80000048  }
0xb3: {  	_ =	swait.ge [sflag:s29], $0x1  }
0xb4: {  	[sflag:s29] =	ssyncadd.s32 $0xFFFFFFFF  }
0xb5: {  	_ =	strace $0x90000048  }
0xb6: {  	_ =	sfence  }
0xb7: {  	s30 =	sld [smem:$0x0];
	_ =	sdelay $0x2  }
0xb8: {  	s31 =	sshll.u32 s1, $0xD;
	s1 =	sshrl.u32 s1, $0x2  }
0xb9: {  	s3 =	sand.u32 $0x4000, s31;
	s1 =	sadd.s32 s1, s30  }
0xba: {  	s0 =	sor.u32 s3, s0;
	s1 =	sshll.u32 s1, $0x11  }
0xbb: {  	s0 =	sor.u32 s1, s0  }
0xbc: {  	s0 =	sadd.s32 $0x8F2B, s0  }
0xbd: {  	[sflag:s0] =	ssyncadd.remote.s32 $0x1  }
0xbe: {  	_ =	sfence.sel $0xFFFF  }
0xbf: {  	[dreg:$0x0] =	wrdreg $0xFFFFFFFF;
	(pc) =	sbr.abs _section_cstart, $3  }
0xc0: {  	[dreg:$0x1] =	wrdreg $0xFFFFFFFF  }
0xc1: {  	_ =	task.clear_ibuf [dreg:s7], $0x2FFFF;
	_ =	strace $0x9FFFFFFF  }
0xc2: {  	(tm) =	ssettm $0x7FFFFFFF  }
0xc3: {  	_ =	shalt  }
tec
execute0_lowered:
.L_overlay_start_1:
0x0: {  	(tag) =	ssettag $0x1  }
0x1: {  	s2 =	rddreg [dreg:$0x0]  }
0x2: {  	s7 =	rddreg [dreg:$0x1]  }
0x3: {  	s0 =	rddreg [dreg:$0x2]  }
0x4: {  	s1 =	srdreg.scid;
	_ =	strace $0x80000047;
	s4 =	simm.s32 $0x1  }
0x5: {  	s9 =	simm.s32 $0x3;
	s12 =	simm.s32 $0x0;
	s5 =	sshll.u32 s1, $0x4  }
.Ltmp0:
0x6: {  	s1 =	stileid.u32;
	s5 =	sand.u32 $0x10, s5;
	(pc) =	sbr.rel .LBB2_1-.Ltmp0, $4  }
0x7: {  	s10 =	simm.s32 $0x0;
	s3 =	sadd.s32 $0x1800, s7;
	s6 =	sor.u32 s1, s5  }
0x8: {  	[sflag:s4] =	ssyncpa.u1 $0x0;
	s5 =	simm.s32 $0x2;
	s6 =	sshll.u32 s6, $0x8  }
0x9: {  	s7 =	sadd.s32 $0x1C00, s7;
	[sflag:s5] =	ssyncpa.u1 $0x0;
	s8 =	sadd.s32 $0x100, s6  }
0xa: {  	vm0 =	vmmov $0xff;
	vm1 =	vcmask $0x3F20;
	[sflag:s9] =	ssyncpa.u1 $0x0;
	s9 =	simm.s32 $0x100;
	s11 =	smov.u32 s6  }
.LBB2_9:
0xb: {  	p0 =	seq.s32 s10, $0x2  }
.Ltmp1:
0xc: {  	_ = 	snop;
	(pc) =	sbr.rel @p0 .LBB2_11-.Ltmp1, $1  }
0xd: {  	_ =	sdelay $0x3  }
.LBB2_10:
0xe: {  	s12 =	sadd.s32 $0x100, s11  }
0xf: {  	s13 =	smov.u32 s6;
	p0 =	slt.s32 s12, s8  }
0x10: {  	s13 =	smov.u32 @p0 s12  }
0x11: {  	s10 =	sadd.s32 $0x1, s10;
	s12 =	smov.u32 s11;
	s11 =	smov.u32 s13  }
.LBB2_1:
0x12: {  	p0 =	sne.s32 s10, $0x0  }
.Ltmp2:
0x13: {  	_ = 	snop;
	(pc) =	sbr.rel @!p0 .LBB2_2-.Ltmp2, $1  }
0x14: {  	_ =	sdelay $0x3  }
0x15: {  	s13 =	sand.u32 $0x1, s10  }
0x16: {  	p0 =	seq.s32 s13, $0x0  }
.Ltmp3:
0x17: {  	_ = 	snop;
	(pc) =	sbr.rel @p0 .LBB2_9-.Ltmp3, $1  }
0x18: {  	_ =	sdelay $0x3  }
0x19: {  	_ =	swait.ge [sflag:s5], $0x100  }
0x1a: {  	[sflag:s5] =	ssyncset.done $0x0  }
0x1b: {  	s13 =	simm.s32 $0x0;
	[sflag:s5] =	ssyncadd.s32 $0xFFFFFF00  }
0x1c: {  	v0 =	vld.msk [tilespmem:s13+$0x100 ss:$0x1], $0xffff;
	_ =	sdelay $0x4  }
0x1d: {  	vm2 =	vgt.s32 v0, $0x0  }
0x1e: {  	v0 =	vnsel vm2, $0x0, v0  }
0x1f: {  	v0 =	vmin.u32 v0, $0x1FFF  }
0x20: {  	v0 =	vshll.u32 v0, $0x4;
	_ =	sdelay $0x3  }
0x21: {  	s13 =	simm.s32 $0x8200  }
0x22: {  	[tilespmem:s13], [sflag:$0x1] =	stream.indirect_vreg.gather [hbm:s2], $0x80, v0, vm0, $0x38;
	[tilespmem:$0x10200] =	vst v63  }
0x23: {  	s14 =	simm.s32 $0x8600;
	s31 =	simm.s32 $0x10  }
0x24: {  	[tilespmem:s14], [sflag:$0x1] =	stream.indirect_vreg.gather [hbm:s2], $0x80, v0, vm1, $0x38;
	[tilespmem:$0x10200] =	vst v63  }
0x25: {  	s14 =	simm.s32 $0x80;
	v0 =	vld.msk [tilespmem:s31+$0x100 ss:$0x1], $0xffff  }
.LBB2_5:
0x26: {  	p0 =	sne.s32 s14, $0x3C0;
	_ =	sdelay $0x4  }
0x27: {  	vm2 =	vgt.s32 v0, $0x0  }
0x28: {  	v0 =	vnsel vm2, $0x0, v0  }
0x29: {  	v0 =	vmin.u32 v0, $0x1FFF  }
0x2a: {  	v0 =	vshll.u32 v0, $0x4;
	_ =	sdelay $0x3  }
.Ltmp4:
0x2b: {  	s13 =	sadd.s32 $0x800, s13;
	(pc) =	sbr.rel @p0 .LBB2_5-.Ltmp4, $4  }
0x2c: {  	[tilespmem:s13], [sflag:$0x1] =	stream.indirect_vreg.gather [hbm:s2], $0x80, v0, vm0, $0x38;
	[tilespmem:$0x10200] =	vst v63  }
0x2d: {  	s15 =	sshra.s32 s14, $0x2;
	s16 =	sadd.s32 $0x400, s13  }
0x2e: {  	[tilespmem:s16], [sflag:$0x1] =	stream.indirect_vreg.gather [hbm:s2], $0x80, v0, vm1, $0x38;
	[tilespmem:$0x10200] =	vst v63  }
0x2f: {  	s14 =	sadd.s32 $0x40, s14;
	v0 =	vld.msk [tilespmem:s15+$0x100 ss:$0x1], $0xffff  }
0x30: {  	_ =	sdelay $0x3  }
0x31: {  	vm2 =	vgt.s32 v0, $0x0  }
0x32: {  	v0 =	vnsel vm2, $0x0, v0  }
0x33: {  	v0 =	vmin.u32 v0, $0x1FFF  }
0x34: {  	v0 =	vshll.u32 v0, $0x4;
	_ =	sdelay $0x3  }
0x35: {  	s13 =	sadd.s32 $0x800, s13  }
0x36: {  	[tilespmem:s13], [sflag:$0x1] =	stream.indirect_vreg.gather [hbm:s2], $0x80, v0, vm0, $0x38;
	[tilespmem:$0x10200] =	vst v63  }
0x37: {  	s13 =	sadd.s32 $0x400, s13  }
0x38: {  	[tilespmem:s13], [sflag:$0x1] =	stream.indirect_vreg.gather [hbm:s2], $0x80, v0, vm1, $0x38;
	[tilespmem:$0x10200] =	vst v63  }
0x39: {  	s12 =	sshll.u32 s12, $0x4;
	s14 =	simm.s32 $0x80;
	_ =	swait.ge [sflag:s4], $0x8000  }
0x3a: {  	s15 =	simm.s32 $0x8600;
	s12 =	sadd.s32 s12, s7;
	[sflag:s4] =	ssyncset.done $0x0  }
0x3b: {  	s16 =	sadd.s32 $0x0, s12;
	s13 =	simm.s32 $0x8200;
	[sflag:s4] =	ssyncadd.s32 $0xFFFF8000  }
.LBB2_7:
0x3c: {  	[hbm:s16] =	stream.linear.scatter [tilespmem:s13], [sflag:$0x3], $0x400, $0x38;
	[tilespmem:$0x10200] =	vst v63  }
0x3d: {  	s16 =	smov.u32 s14;
	s13 =	smov.u32 s15;
	p0 =	sne.s32 s14, $0xF80  }
.Ltmp5:
0x3e: {  	s14 =	sadd.s32 $0x80, s14;
	(pc) =	sbr.rel @p0 .LBB2_7-.Ltmp5, $2  }
0x3f: {  	_ =	sdelay $0x2  }
0x40: {  	s15 =	sadd.s32 $0x400, s15;
	s16 =	sadd.s32 s16, s12  }
.Ltmp6:
0x41: {  	(pc) =	sbr.rel .LBB2_9-.Ltmp6, $2  }
0x42: {  	_ =	sdelay $0x2  }
0x43: {  	[hbm:s16] =	stream.linear.scatter [tilespmem:s13], [sflag:$0x3], $0x400, $0x38;
	[tilespmem:$0x10200] =	vst v63  }
.LBB2_2:
.Ltmp7:
0x44: {  	(pc) =	sbr.rel .LBB2_10-.Ltmp7, $4  }
0x45: {  	_ = 	snop  }
0x46: {  	s12 =	sshrl.u32 s11, $0x3  }
0x47: {  	s13 =	sand.u32 $0x7, s11;
	s12 =	sadd.s32 s3, s12  }
0x48: {  	[tilespmem:s9], [sflag:$0x2] =	stream.linear.gather [hbm4b:s12+s13], $0x100, $0x38;
	[tilespmem:$0x10200] =	vst v63  }
.LBB2_11:
0x49: {  	s2 =	simm.s32 $0x3  }
0x4a: {  	_ =	swait.ge [sflag:s2], $0x8000  }
0x4b: {  	[sflag:s2] =	ssyncset.done $0x0  }
0x4c: {  	[sflag:s2] =	ssyncadd.s32 $0xFFFF8000  }
0x4d: {  	_ =	sfence.sel $0x180000  }
0x4e: {  	s3 =	simm.s32 $0x2;
	[bflag:$0x0] =	sbarrier.arrive $0xFFFF  }
0x4f: {  	[sflag:s3] =	ssyncpa.u1 $0x1  }
0x50: {  	s31 =	simm.s32 $0x1;
	[sflag:s2] =	ssyncpa.u1 $0x1  }
0x51: {  	[sflag:s31] =	ssyncpa.u1 $0x1  }
0x52: {  	p0 =	sne.s32 s1, $0x0;
	_ =	strace $0x90000047  }
0x53: {  	s0 =	sadd.s32 @!p0 $0x100000, s0;
	[bflag:$0x2] =	sbarrier.arrive $0xFFFF  }
0x54: {  	[sflag:s0] =	ssyncadd.tile.s32 @!p0 $0x1;
	_ =	shalt  }
.Lfunc_end2:
_tile_overlayer_lowered:
.L_overlay_start_2:
0x55: {  	(tag) =	ssettag $0x2  }
0x56: {  	s0 =	rddreg [dreg:$0x0];
	s2 =	stileid.u32  }
0x57: {  	s1 =	rddreg [dreg:$0x1];
	p0 =	sne.s32 s2, $0x0  }
0x58: {  	s3 =	rddreg [dreg:$0x2];
	[bflag:$0x3] =	sbarrier.arrive $0xFFFF;
	s2 =	simm.s32 @!p0 $0x1C01  }
0x59: {  	[timem:s3], [sflag:s2] =	dma.local @!p0 [hbm:s0], s1  }
0x5a: {  	s0 =	simm.s32 @!p0 $0x1  }
0x5b: {  	_ =	swait.ge @!p0 [sflag:s0], s1  }
0x5c: {  	s1 =	ssub.s32 @!p0 $0x0, s1;
	[sflag:s0] =	ssyncset.done @!p0 $0x0  }
0x5d: {  	[sflag:s0] =	ssyncadd.s32 @!p0 s1  }
0x5e: {  	[bflag:$0x3] =	sbarrier.arrive $0xFFFF  }
0x5f: {  	_ =	shalt  }

// kernel: gather_offload_async_start
scs
__scs_entry_jumppad:
0x0: {  	(pc) =	sbr.rel $0x88, $3  }
0x1: {  	(tag) =	ssettag $0x0;
	lr =	simm.s32 $0x1  }
0x2: {  	[smem:$0x3F9A] =	sst lr;
	_ =	strace $0xD0000000  }
0x3: {  	_ = 	snop  }
0x4: {  	_ = 	snop  }
0x5: {  	_ = 	snop  }
0x6: {  	_ = 	snop  }
0x7: {  	_ = 	snop  }
__scs_overlays_trampoline_lowered:
0x8: {  	[smem:$0x3FA9] =	sst s0  }
0x9: {  	[smem:$0x3FAA] =	sst s1  }
0xa: {  	[smem:$0x3FAB] =	sst s2  }
0xb: {  	[smem:$0x3FAC] =	sst s3  }
0xc: {  	[smem:$0x3FAD] =	sst s4  }
0xd: {  	[smem:$0x3FAE] =	sst s5  }
0xe: {  	[smem:$0x3FAF] =	sst s6  }
0xf: {  	[smem:$0x3FB0] =	sst s7  }
0x10: {  	[smem:$0x3FB1] =	sst s8  }
0x11: {  	[smem:$0x3FB2] =	sst s9;
	s0 =	simm.s32 @!p0 $0x0  }
0x12: {  	s1 =	sld [smem:$0x3F98];
	s0 =	simm.s32 @p0 $0x1  }
0x13: {  	[smem:$0x3FB3] =	sst s0;
	s0 =	simm.s32 @!p1 $0x0  }
0x14: {  	s2 =	sld [smem:$0x3F97];
	s0 =	simm.s32 @p1 $0x1  }
0x15: {  	[smem:$0x3FB4] =	sst s0;
	s0 =	simm.s32 @!p2 $0x0  }
0x16: {  	s3 =	sld [smem:$0x3FDB];
	s0 =	simm.s32 @p2 $0x1  }
0x17: {  	s4 =	simm.s32 $0x1BF5;
	[smem:$0x3FB6] =	sst s0  }
0x18: {  	s0 =	sld [smem:$0x3F99];
	_ =	swait.ge [sflag:s4], $0x0  }
0x19: {  	s7 =	sld [smem:$0x3F9A]  }
0x1a: {  	s8 =	sadd.s32 $0xFFFFE003, lr  }
0x1b: {  	s9 =	sadd.s32 $0xFFFFFEF7, lr;
	s5 =	simm.s32 $0xFFFFFFFF;
	p2 =	slt.u32 s8, $0xFFFFF086  }
0x1c: {  	p1 =	slt.u32 s9, $0xF7A;
	s5 =	simm.s32 @!p2 $0x0  }
0x1d: {  	s5 =	simm.s32 @p1 $0x1;
	p0 =	seq.s32 s7, s2  }
0x1e: {  	s7 =	smul.u32 @!p0 $0xF7A, s2;
	p2 =	seq.s32 @!p0 s5, $0x0  }
0x1f: {  	s9 =	smul.u32 $0xF7A, s1;
	s8 =	simm.s32 @!p0 $0x1BF5;
	p2 =	por !p2, p0  }
0x20: {  	[sflag:s8] =	ssyncset.s32 @!p0 $0xFFFFF086;
	s6 =	sadd.s32 @!p0 s3, s7;
	s7 =	simm.s32 @!p0 $0x108  }
0x21: {  	s3 =	sadd.s32 s3, s9;
	s6 =	sadd.s32 @!p0 $0x88, s6;
	s7 =	simm.s32 @p2 $0x1082  }
0x22: {  	[simem:s7], [sflag:s8] =	dma.local @!p0 [hbm:s6], $0xF7A  }
0x23: {  	s9 =	sor.u32 $0xD0000000, s2;
	s6 =	simm.s32 $0x108;
	_ =	swait.ge @!p0 [sflag:s8], $0x0  }
0x24: {  	s3 =	sadd.s32 $0x88, s3;
	s6 =	simm.s32 @!p1 $0x1082;
	[sflag:s4] =	ssyncset.s32 $0xFFFFF086  }
0x25: {  	[simem:s6], [sflag:s4] =	dma.local [hbm:s3], $0xF7A  }
0x26: {  	[smem:$0x3F9A] =	sst s1;
	(tag) =	ssettag s2;
	_ =	strace s9  }
0x27: {  	s1 =	sld [smem:$0x3FAA]  }
0x28: {  	s2 =	sld [smem:$0x3FAB]  }
0x29: {  	s4 =	sld [smem:$0x3FAD]  }
0x2a: {  	p0 =	seq.s32 s5, $0x0;
	s5 =	sld [smem:$0x3FAE]  }
0x2b: {  	s6 =	sld [smem:$0x3FAF]  }
0x2c: {  	s7 =	sld [smem:$0x3FB0]  }
0x2d: {  	s3 =	simm.s32 $0x108;
	s8 =	sld [smem:$0x3FB1]  }
0x2e: {  	s3 =	simm.s32 @!p0 $0x1082;
	s9 =	sld [smem:$0x3FB2]  }
0x2f: {  	lr =	sadd.s32 s0, s3;
	s0 =	sld [smem:$0x3FA9]  }
0x30: {  	s3 =	sld [smem:$0x3FAC]  }
0x31: {  	[smem:$0x3FB5] =	sst s10  }
0x32: {  	s10 =	sld [smem:$0x3FB3];
	_ =	sdelay $0x3  }
0x33: {  	p0 =	seq.s32 s10, $0x1;
	s10 =	sld [smem:$0x3FB5];
	_ =	sdelay $0x3  }
0x34: {  	[smem:$0x3FB5] =	sst s10  }
0x35: {  	s10 =	sld [smem:$0x3FB4];
	_ =	sdelay $0x3  }
0x36: {  	p1 =	seq.s32 s10, $0x1;
	s10 =	sld [smem:$0x3FB5];
	_ =	sdelay $0x3  }
0x37: {  	[smem:$0x3FB5] =	sst s10  }
0x38: {  	s10 =	sld [smem:$0x3FB6]  }
0x39: {  	_ = 	snop;
	(pc) =	sbr.ind lr, $3  }
0x3a: {  	_ = 	snop  }
0x3b: {  	_ = 	snop  }
0x3c: {  	p2 =	seq.s32 s10, $0x1;
	s10 =	sld [smem:$0x3FB5]  }
0x3d: {  	_ =	shalt  }
0x3e: {  	_ =	shalt  }
0x3f: {  	_ =	shalt  }
0x40: {  	_ =	shalt  }
0x41: {  	_ =	shalt  }
0x42: {  	_ =	shalt  }
0x43: {  	_ =	shalt  }
0x44: {  	_ =	shalt  }
0x45: {  	_ =	shalt  }
0x46: {  	_ =	shalt  }
0x47: {  	_ =	shalt  }
0x48: {  	_ =	shalt  }
0x49: {  	_ =	shalt  }
0x4a: {  	_ =	shalt  }
0x4b: {  	_ =	shalt  }
0x4c: {  	_ =	shalt  }
0x4d: {  	_ =	shalt  }
0x4e: {  	_ =	shalt  }
0x4f: {  	_ =	shalt  }
0x50: {  	_ =	shalt  }
0x51: {  	_ =	shalt  }
0x52: {  	_ =	shalt  }
0x53: {  	_ =	shalt  }
0x54: {  	_ =	shalt  }
0x55: {  	_ =	shalt  }
0x56: {  	_ =	shalt  }
0x57: {  	_ =	shalt  }
0x58: {  	_ =	shalt  }
0x59: {  	_ =	shalt  }
0x5a: {  	_ =	shalt  }
0x5b: {  	_ =	shalt  }
0x5c: {  	_ =	shalt  }
0x5d: {  	_ =	shalt  }
0x5e: {  	_ =	shalt  }
0x5f: {  	_ =	shalt  }
0x60: {  	_ =	shalt  }
0x61: {  	_ =	shalt  }
0x62: {  	_ =	shalt  }
0x63: {  	_ =	shalt  }
0x64: {  	_ =	shalt  }
0x65: {  	_ =	shalt  }
0x66: {  	_ =	shalt  }
0x67: {  	_ =	shalt  }
0x68: {  	_ =	shalt  }
0x69: {  	_ =	shalt  }
0x6a: {  	_ =	shalt  }
0x6b: {  	_ =	shalt  }
0x6c: {  	_ =	shalt  }
0x6d: {  	_ =	shalt  }
0x6e: {  	_ =	shalt  }
0x6f: {  	_ =	shalt  }
0x70: {  	_ =	shalt  }
0x71: {  	_ =	shalt  }
0x72: {  	_ =	shalt  }
0x73: {  	_ =	shalt  }
0x74: {  	_ =	shalt  }
0x75: {  	_ =	shalt  }
0x76: {  	_ =	shalt  }
0x77: {  	_ =	shalt  }
0x78: {  	_ =	shalt  }
0x79: {  	_ =	shalt  }
0x7a: {  	_ =	shalt  }
0x7b: {  	_ =	shalt  }
0x7c: {  	_ =	shalt  }
0x7d: {  	_ =	shalt  }
0x7e: {  	_ =	shalt  }
0x7f: {  	_ =	shalt  }
0x80: {  	_ =	shalt  }
0x81: {  	_ =	shalt  }
0x82: {  	_ =	shalt  }
0x83: {  	_ =	shalt  }
0x84: {  	_ =	shalt  }
0x85: {  	_ =	shalt  }
0x86: {  	_ =	shalt  }
0x87: {  	_ =	shalt  }
.Lfunc_end0:
.L_simem_size_0:
called_computation_lowered:
.L_overlay_start_0:
0x88: {  	s2 =	sld [smem:$0x3FD9]  }
0x89: {  	s3 =	sld [smem:$0x3FFE];
	_ =	sdelay $0x1  }
0x8a: {  	s1 =	srdreg.scid  }
0x8b: {  	s0 =	sand.u32 $0x1, s1  }
0x8c: {  	s17 =	sshll.u32 s0, $0xA;
	s2 =	sadd.s32 s3, s2  }
0x8d: {  	s2 =	sadd.s32 s2, s17  }
0x8e: {  	[smem:$0x3FC1] =	sst s2  }
0x8f: {  	_ = 	snop  }
0x90: {  	(tm) =	ssettm $0x1  }
0x91: {  	s18 =	sld [smem:$0x3FFB];
	_ =	sdelay $0x3  }
0x92: {  	_ =	strace s18  }
0x93: {  	s2 =	sld [smem:$0x3FFC];
	_ =	sdelay $0x3  }
0x94: {  	_ =	strace s2  }
0x95: {  	s2 =	sld [smem:$0x3FFD];
	_ =	sdelay $0x3  }
0x96: {  	_ =	strace s2  }
0x97: {  	_ =	strace $0x8FFFFFFF  }
0x98: {  	s19 =	sld [smem:$0x3FDB];
	_ =	sdelay $0x1  }
0x99: {  	s20 =	simm.s32 $_scs_section_size  }
0x9a: {  	s4 =	simm.s32 $_size__tile_overlayer_lowered;
	s5 =	simm.s32 $_tile_overlayer_lowered  }
0x9b: {  	s6 =	simm.s32 $0x1BFF;
	s21 =	sshll.u32 s5, $0x1;
	s3 =	sadd.s32 s20, s19  }
0x9c: {  	s22 =	simm.s32 $0x0;
	s4 =	sshll.u32 s4, $0x1;
	s5 =	sadd.s32 s21, s3  }
0x9d: {  	[timem:s22], [sflag:s6] =	dma.local [hbm:s5], s4  }
0x9e: {  	_ =	swait.ge [sflag:s6], s4  }
0x9f: {  	s4 =	ssub.s32 $0x0, s4;
	[sflag:s6] =	ssyncset.done $0x0  }
0xa0: {  	[sflag:s6] =	ssyncadd.s32 s4;
	_ =	sdelay $0x1  }
0xa1: {  	s23 =	simm.s32 $0x1B8B  }
0xa2: {  	_ =	swait.ge [sflag:s23], $0x1  }
0xa3: {  	[sflag:s23] =	ssyncset.done $0x0  }
0xa4: {  	[sflag:s23] =	ssyncadd.s32 $0xFFFFFFFF  }
0xa5: {  	s4 =	sld [smem:$0x0]  }
0xa6: {  	s5 =	sand.u32 $0xFFFFFFFE, s1  }
0xa7: {  	p0 =	sne.s32 s1, s5  }
0xa8: {  	s5 =	sshll.u32 @p0 s5, $0xE  }
0xa9: {  	s5 =	sadd.s32 @p0 $0x11B8D, s5;
	s6 =	sshll.u32 @p0 s4, $0x11  }
0xaa: {  	s5 =	sor.u32 @p0 s6, s5  }
0xab: {  	[sflag:s5] =	ssyncadd.remote.s32 @p0 $0x1;
	_ =	sdelay $0x1  }
0xac: {  	s5 =	simm.s32 @p0 $0x1B8D  }
0xad: {  	_ =	swait.eq @p0 [sflag:s5], $0x1  }
0xae: {  	[sflag:s5] =	ssyncadd.s32 @p0 $0xFFFFFFFF  }
0xaf: {  	s6 =	sshll.u32 @!p0 s1, $0xE  }
0xb0: {  	s6 =	sor.u32 @!p0 $0x4000, s6;
	s5 =	simm.s32 @!p0 $0x1B8D  }
0xb1: {  	s4 =	sshll.u32 @!p0 s4, $0x11;
	s6 =	sadd.s32 @!p0 $0x11B8D, s6;
	_ =	swait.eq @!p0 [sflag:s5], $0x1  }
0xb2: {  	s4 =	sor.u32 @!p0 s4, s6;
	[sflag:s5] =	ssyncadd.s32 @!p0 $0xFFFFFFFF  }
0xb3: {  	s25 =	simm.s32 $0x1B8E;
	s24 =	sld [smem:$0x3FFE];
	[sflag:s4] =	ssyncadd.remote.s32 @!p0 $0x1  }
0xb4: {  	s26 =	simm.s32 $execute0_lowered;
	[smem:$0x3FD2] =	sst s25  }
0xb5: {  	s5 =	sshll.u32 s26, $0x1;
	_ =	strace $0x80000049;
	[dreg:$0x1] =	wrdreg $0xFFFFFFFF  }
0xb6: {  	s28 =	simm.s32 $_size_execute0_lowered;
	s3 =	sadd.s32 s3, s5;
	[dreg:$0x0] =	wrdreg $0x0  }
0xb7: {  	s5 =	sshll.u32 s28, $0x1;
	[dreg:$0x2] =	wrdreg s3  }
0xb8: {  	[dreg:$0x3] =	wrdreg s5  }
0xb9: {  	[dreg:$0x4] =	wrdreg $0xC0  }
0xba: {  	_ =	task [dreg:s22], $0x5FFFF  }
0xbb: {  	[dreg:$0x1] =	wrdreg $0xFFFFFFFF  }
0xbc: {  	[dreg:$0x0] =	wrdreg $0x60  }
0xbd: {  	[dreg:$0x2] =	wrdreg s24  }
0xbe: {  	[dreg:$0x3] =	wrdreg $0x9  }
0xbf: {  	_ =	task.clear_ibuf [dreg:s22], $0x4FFFF;
	_ =	strace $0x90000049  }
0xc0: {  	s29 =	simm.s32 $0x9;
	_ =	strace $0x8000004B  }
0xc1: {  	_ =	swait.ge [sflag:s29], $0x1  }
0xc2: {  	[sflag:s29] =	ssyncadd.s32 $0xFFFFFFFF  }
0xc3: {  	_ =	strace $0x9000004B  }
0xc4: {  	_ =	sfence  }
0xc5: {  	s30 =	sld [smem:$0x0];
	_ =	sdelay $0x2  }
0xc6: {  	s31 =	sshll.u32 s1, $0xD;
	s1 =	sshrl.u32 s1, $0x2  }
0xc7: {  	s4 =	sand.u32 $0x4000, s31;
	s1 =	sadd.s32 s1, s30  }
0xc8: {  	s0 =	sor.u32 s4, s0;
	s1 =	sshll.u32 s1, $0x11  }
0xc9: {  	s0 =	sor.u32 s1, s0  }
0xca: {  	s0 =	sadd.s32 $0x8F2B, s0  }
0xcb: {  	[sflag:s0] =	ssyncadd.remote.s32 $0x1  }
0xcc: {  	_ =	sfence.sel $0xFFFF  }
0xcd: {  	[dreg:$0x0] =	wrdreg $0xFFFFFFFF;
	(pc) =	sbr.abs _section_cstart, $3  }
0xce: {  	[dreg:$0x1] =	wrdreg $0xFFFFFFFF  }
0xcf: {  	_ =	task.clear_ibuf [dreg:s22], $0x2FFFF;
	_ =	strace $0x9FFFFFFF  }
0xd0: {  	(tm) =	ssettm $0x7FFFFFFF  }
0xd1: {  	_ =	shalt  }
tec
execute0_lowered:
.L_overlay_start_1:
0x0: {  	(tag) =	ssettag $0x1  }
0x1: {  	s7 =	rddreg [dreg:$0x0]  }
0x2: {  	s0 =	rddreg [dreg:$0x1];
	_ =	strace $0x8000004A  }
0x3: {  	s1 =	srdreg.scid;
	s4 =	simm.s32 $0x1;
	s9 =	simm.s32 $0x3  }
0x4: {  	s12 =	simm.s32 $0x0;
	s10 =	simm.s32 $0x0;
	s5 =	sshll.u32 s1, $0x4  }
.Ltmp0:
0x5: {  	s1 =	stileid.u32;
	s5 =	sand.u32 $0x10, s5;
	(pc) =	sbr.rel .LBB2_1-.Ltmp0, $4  }
0x6: {  	s2 =	sadd.s32 $0x21C00, s7;
	s3 =	sadd.s32 $0x1800, s7;
	s6 =	sor.u32 s1, s5  }
0x7: {  	[sflag:s4] =	ssyncpa.u1 $0x0;
	s5 =	simm.s32 $0x2;
	s6 =	sshll.u32 s6, $0x8  }
0x8: {  	s7 =	sadd.s32 $0x41C00, s7;
	[sflag:s5] =	ssyncpa.u1 $0x0;
	s8 =	sadd.s32 $0x100, s6  }
0x9: {  	vm0 =	vmmov $0xff;
	vm1 =	vcmask $0x3F20;
	[sflag:s9] =	ssyncpa.u1 $0x0;
	s9 =	simm.s32 $0x100;
	s11 =	smov.u32 s6  }
.LBB2_9:
0xa: {  	p0 =	seq.s32 s10, $0x2  }
.Ltmp1:
0xb: {  	_ = 	snop;
	(pc) =	sbr.rel @p0 .LBB2_11-.Ltmp1, $1  }
0xc: {  	_ =	sdelay $0x3  }
.LBB2_10:
0xd: {  	s12 =	sadd.s32 $0x100, s11  }
0xe: {  	s13 =	smov.u32 s6;
	p0 =	slt.s32 s12, s8  }
0xf: {  	s13 =	smov.u32 @p0 s12  }
0x10: {  	s10 =	sadd.s32 $0x1, s10;
	s12 =	smov.u32 s11;
	s11 =	smov.u32 s13  }
.LBB2_1:
0x11: {  	p0 =	sne.s32 s10, $0x0  }
.Ltmp2:
0x12: {  	_ = 	snop;
	(pc) =	sbr.rel @!p0 .LBB2_2-.Ltmp2, $1  }
0x13: {  	_ =	sdelay $0x3  }
0x14: {  	s13 =	sand.u32 $0x1, s10  }
0x15: {  	p0 =	seq.s32 s13, $0x0  }
.Ltmp3:
0x16: {  	_ = 	snop;
	(pc) =	sbr.rel @p0 .LBB2_9-.Ltmp3, $1  }
0x17: {  	_ =	sdelay $0x3  }
0x18: {  	_ =	swait.ge [sflag:s5], $0x100  }
0x19: {  	[sflag:s5] =	ssyncset.done $0x0  }
0x1a: {  	s13 =	simm.s32 $0x0;
	[sflag:s5] =	ssyncadd.s32 $0xFFFFFF00  }
0x1b: {  	v0 =	vld.msk [tilespmem:s13+$0x100 ss:$0x1], $0xffff;
	_ =	sdelay $0x4  }
0x1c: {  	vm2 =	vgt.s32 v0, $0x0  }
0x1d: {  	v0 =	vnsel vm2, $0x0, v0  }
0x1e: {  	v0 =	vmin.u32 v0, $0x1FFF  }
0x1f: {  	v0 =	vshll.u32 v0, $0x4;
	_ =	sdelay $0x3  }
0x20: {  	s13 =	simm.s32 $0x8200  }
0x21: {  	[tilespmem:s13], [sflag:$0x1] =	stream.indirect_vreg.gather [hbm:s2], $0x80, v0, vm0, $0x38;
	[tilespmem:$0x10200] =	vst v63  }
0x22: {  	s14 =	simm.s32 $0x8600;
	s31 =	simm.s32 $0x10  }
0x23: {  	[tilespmem:s14], [sflag:$0x1] =	stream.indirect_vreg.gather [hbm:s2], $0x80, v0, vm1, $0x38;
	[tilespmem:$0x10200] =	vst v63  }
0x24: {  	s14 =	simm.s32 $0x80;
	v0 =	vld.msk [tilespmem:s31+$0x100 ss:$0x1], $0xffff  }
.LBB2_5:
0x25: {  	p0 =	sne.s32 s14, $0x3C0;
	_ =	sdelay $0x4  }
0x26: {  	vm2 =	vgt.s32 v0, $0x0  }
0x27: {  	v0 =	vnsel vm2, $0x0, v0  }
0x28: {  	v0 =	vmin.u32 v0, $0x1FFF  }
0x29: {  	v0 =	vshll.u32 v0, $0x4;
	_ =	sdelay $0x3  }
.Ltmp4:
0x2a: {  	s13 =	sadd.s32 $0x800, s13;
	(pc) =	sbr.rel @p0 .LBB2_5-.Ltmp4, $4  }
0x2b: {  	[tilespmem:s13], [sflag:$0x1] =	stream.indirect_vreg.gather [hbm:s2], $0x80, v0, vm0, $0x38;
	[tilespmem:$0x10200] =	vst v63  }
0x2c: {  	s15 =	sshra.s32 s14, $0x2;
	s16 =	sadd.s32 $0x400, s13  }
0x2d: {  	[tilespmem:s16], [sflag:$0x1] =	stream.indirect_vreg.gather [hbm:s2], $0x80, v0, vm1, $0x38;
	[tilespmem:$0x10200] =	vst v63  }
0x2e: {  	s14 =	sadd.s32 $0x40, s14;
	v0 =	vld.msk [tilespmem:s15+$0x100 ss:$0x1], $0xffff  }
0x2f: {  	_ =	sdelay $0x3  }
0x30: {  	vm2 =	vgt.s32 v0, $0x0  }
0x31: {  	v0 =	vnsel vm2, $0x0, v0  }
0x32: {  	v0 =	vmin.u32 v0, $0x1FFF  }
0x33: {  	v0 =	vshll.u32 v0, $0x4;
	_ =	sdelay $0x3  }
0x34: {  	s13 =	sadd.s32 $0x800, s13  }
0x35: {  	[tilespmem:s13], [sflag:$0x1] =	stream.indirect_vreg.gather [hbm:s2], $0x80, v0, vm0, $0x38;
	[tilespmem:$0x10200] =	vst v63  }
0x36: {  	s13 =	sadd.s32 $0x400, s13  }
0x37: {  	[tilespmem:s13], [sflag:$0x1] =	stream.indirect_vreg.gather [hbm:s2], $0x80, v0, vm1, $0x38;
	[tilespmem:$0x10200] =	vst v63  }
0x38: {  	s12 =	sshll.u32 s12, $0x4;
	s14 =	simm.s32 $0x80;
	_ =	swait.ge [sflag:s4], $0x8000  }
0x39: {  	s15 =	simm.s32 $0x8600;
	s12 =	sadd.s32 s12, s7;
	[sflag:s4] =	ssyncset.done $0x0  }
0x3a: {  	s16 =	sadd.s32 $0x0, s12;
	s13 =	simm.s32 $0x8200;
	[sflag:s4] =	ssyncadd.s32 $0xFFFF8000  }
.LBB2_7:
0x3b: {  	[hbm:s16] =	stream.linear.scatter [tilespmem:s13], [sflag:$0x3], $0x400, $0x38;
	[tilespmem:$0x10200] =	vst v63  }
0x3c: {  	s16 =	smov.u32 s14;
	s13 =	smov.u32 s15;
	p0 =	sne.s32 s14, $0xF80  }
.Ltmp5:
0x3d: {  	s14 =	sadd.s32 $0x80, s14;
	(pc) =	sbr.rel @p0 .LBB2_7-.Ltmp5, $2  }
0x3e: {  	_ =	sdelay $0x2  }
0x3f: {  	s15 =	sadd.s32 $0x400, s15;
	s16 =	sadd.s32 s16, s12  }
.Ltmp6:
0x40: {  	(pc) =	sbr.rel .LBB2_9-.Ltmp6, $2  }
0x41: {  	_ =	sdelay $0x2  }
0x42: {  	[hbm:s16] =	stream.linear.scatter [tilespmem:s13], [sflag:$0x3], $0x400, $0x38;
	[tilespmem:$0x10200] =	vst v63  }
.LBB2_2:
.Ltmp7:
0x43: {  	(pc) =	sbr.rel .LBB2_10-.Ltmp7, $4  }
0x44: {  	_ = 	snop  }
0x45: {  	s12 =	sshrl.u32 s11, $0x3  }
0x46: {  	s13 =	sand.u32 $0x7, s11;
	s12 =	sadd.s32 s3, s12  }
0x47: {  	[tilespmem:s9], [sflag:$0x2] =	stream.linear.gather [hbm4b:s12+s13], $0x100, $0x38;
	[tilespmem:$0x10200] =	vst v63  }
.LBB2_11:
0x48: {  	s2 =	simm.s32 $0x3  }
0x49: {  	_ =	swait.ge [sflag:s2], $0x8000  }
0x4a: {  	[sflag:s2] =	ssyncset.done $0x0  }
0x4b: {  	[sflag:s2] =	ssyncadd.s32 $0xFFFF8000  }
0x4c: {  	_ =	sfence.sel $0x180000  }
0x4d: {  	s3 =	simm.s32 $0x2;
	[bflag:$0x0] =	sbarrier.arrive $0xFFFF  }
0x4e: {  	[sflag:s3] =	ssyncpa.u1 $0x1  }
0x4f: {  	s31 =	simm.s32 $0x1;
	[sflag:s2] =	ssyncpa.u1 $0x1  }
0x50: {  	[sflag:s31] =	ssyncpa.u1 $0x1  }
0x51: {  	p0 =	sne.s32 s1, $0x0;
	_ =	strace $0x9000004A  }
0x52: {  	s0 =	sadd.s32 @!p0 $0x100000, s0;
	[bflag:$0x2] =	sbarrier.arrive $0xFFFF  }
0x53: {  	[sflag:s0] =	ssyncadd.tile.s32 @!p0 $0x1;
	_ =	shalt  }
.Lfunc_end2:
_tile_overlayer_lowered:
.L_overlay_start_2:
0x54: {  	(tag) =	ssettag $0x2  }
0x55: {  	s0 =	rddreg [dreg:$0x0];
	s2 =	stileid.u32  }
0x56: {  	s1 =	rddreg [dreg:$0x1];
	p0 =	sne.s32 s2, $0x0  }
0x57: {  	s3 =	rddreg [dreg:$0x2];
	[bflag:$0x3] =	sbarrier.arrive $0xFFFF;
	s2 =	simm.s32 @!p0 $0x1C01  }
0x58: {  	[timem:s3], [sflag:s2] =	dma.local @!p0 [hbm:s0], s1  }
0x59: {  	s0 =	simm.s32 @!p0 $0x1  }
0x5a: {  	_ =	swait.ge @!p0 [sflag:s0], s1  }
0x5b: {  	s1 =	ssub.s32 @!p0 $0x0, s1;
	[sflag:s0] =	ssyncset.done @!p0 $0x0  }
0x5c: {  	[sflag:s0] =	ssyncadd.s32 @!p0 s1  }
0x5d: {  	[bflag:$0x3] =	sbarrier.arrive $0xFFFF  }
0x5e: {  	_ =	shalt  }

</sc_bundles>
